<compile_context>
chip_gen: v7x
topology: tpu7x:2x2x1
jax: 0.10.2.dev20260603
libtpu: 0.0.44.dev20260713+nightly
codegen_flags: <defaults>
</compile_context>

<pallas_src>
import functools

import jax
import jax.numpy as jnp
from jax import lax
from jax.experimental import pallas as pl
from jax.experimental.pallas import tpu as pltpu
from jax.experimental.pallas import tpu_sc as plsc

_NUM_CORES = 2
_NUM_SUBCORES = 16
_NW = _NUM_CORES * _NUM_SUBCORES


@jax.jit
def _embed(xw, table):
    nw, hist, b_per_w = xw.shape
    vocab, d = table.shape
    batch = nw * b_per_w

    mesh = plsc.VectorSubcoreMesh(
        core_axis_name="c",
        subcore_axis_name="s",
        num_cores=_NUM_CORES,
        num_subcores=_NUM_SUBCORES,
    )

    nbuf = 5
    lookahead = 3

    @functools.partial(
        pl.kernel,
        out_type=jax.ShapeDtypeStruct((hist * batch, d), jnp.float32),
        mesh=mesh,
        compiler_params=pltpu.CompilerParams(
            use_tc_tiling_on_sc=True,
            disable_bounds_checks=True,
            disable_semaphore_checks=True,
        ),
        scratch_types=[
            pltpu.VMEM((hist, b_per_w), jnp.int32),
            [pltpu.VMEM((b_per_w, d), jnp.float32) for _ in range(nbuf)],
            [pltpu.SemaphoreType.DMA for _ in range(nbuf)],
            [pltpu.SemaphoreType.DMA for _ in range(nbuf)],
        ],
    )
    def embed_kernel(x_hbm, table_hbm, out_hbm, idx_v, bufs, sems_g, sems_s):
        wid = lax.axis_index("s") * _NUM_CORES + lax.axis_index("c")
        base = wid * b_per_w

        pltpu.sync_copy(x_hbm.at[wid], idx_v)

        for b in range(lookahead):
            pltpu.async_copy(table_hbm.at[idx_v.at[b]], bufs[b], sems_g[b])

        def outer(g, carry):
            for b in range(nbuf):
                h = g * nbuf + b
                pltpu.make_async_copy(
                    table_hbm.at[idx_v.at[h]], bufs[b], sems_g[b]
                ).wait()
                pltpu.async_copy(
                    bufs[b], out_hbm.at[pl.ds(h * batch + base, b_per_w)], sems_s[b]
                )

                bf = (b + lookahead) % nbuf

                @pl.when(h + lookahead < hist)
                def _prefetch():
                    @pl.when(h + lookahead >= nbuf)
                    def _drain_prev_scatter():
                        pltpu.make_async_copy(
                            bufs[bf],
                            out_hbm.at[pl.ds(base, b_per_w)],
                            sems_s[bf],
                        ).wait()

                    pltpu.async_copy(
                        table_hbm.at[idx_v.at[h + lookahead]], bufs[bf], sems_g[bf]
                    )

            return carry

        lax.fori_loop(0, hist // nbuf, outer, None)

        for b in range(nbuf):
            pltpu.make_async_copy(
                bufs[b], out_hbm.at[pl.ds(base, b_per_w)], sems_s[b]
            ).wait()

    return embed_kernel(xw, table)


def kernel(x, table):
    batch, hist = x.shape
    xw = x.astype(jnp.int32).T.reshape(hist, _NW, batch // _NW).transpose(1, 0, 2)
    out = _embed(xw, table)
    return out.reshape(hist, batch, table.shape[1]).swapaxes(0, 1)

# --- scband reference (transcript-rebuilt; emitter-appended) ---
"""Pipeline reference for scband-embed-base-20289425506830 (READ-ONLY COPY).

The authoritative reference and input builder live on the scoring server;
editing this copy changes nothing except your own understanding.
"""

import jax, jax.numpy as jnp
import numpy as np

VOCAB = 100000
D_MODEL = 128
BATCH = 4096
HIST = 50

def setup_inputs(seed: int = 0) -> dict:
    key = jax.random.key(seed)
    k_idx, k_tab = jax.random.split(key)
    x = jax.random.randint(k_idx, (BATCH, HIST), 0, VOCAB, dtype=jnp.int64 if jax.config.jax_enable_x64 else jnp.int32)
    table = jax.random.normal(k_tab, (VOCAB, D_MODEL), dtype=jnp.float32)
    return {"x": x, "table": table}

def reference(x, table):
    # nn.Embedding forward: gather rows of the embedding table
    return jnp.take(table, x, axis=0)

if __name__ == "__main__":
    import jax
    _d = setup_inputs()
    print(jax.jit(kernel)(*tuple(_d.values())))

</pallas_src>

<mosaic_0001>
#map = affine_map<(d0, d1) -> (0, 0, 0)>
#map1 = affine_map<(d0, d1) -> (0, 0)>
module attributes {stable_mosaic.version = 14 : i64} {
  func.func @embed_kernel(%arg0: i32, %arg1: i32, %arg2: memref<32x50x128xi32, #tpu.memory_space<hbm>>, %arg3: memref<100000x128xf32, #tpu.memory_space<hbm>>, %arg4: memref<204800x128xf32, #tpu.memory_space<hbm>>, %arg5: memref<50x128xi32, #tpu.memory_space<vmem>>, %arg6: memref<128x128xf32, #tpu.memory_space<vmem>>, %arg7: memref<128x128xf32, #tpu.memory_space<vmem>>, %arg8: memref<128x128xf32, #tpu.memory_space<vmem>>, %arg9: memref<128x128xf32, #tpu.memory_space<vmem>>, %arg10: memref<128x128xf32, #tpu.memory_space<vmem>>, %arg11: memref<!tpu.dma_semaphore, #tpu.memory_space<semaphore_mem>>, %arg12: memref<!tpu.dma_semaphore, #tpu.memory_space<semaphore_mem>>, %arg13: memref<!tpu.dma_semaphore, #tpu.memory_space<semaphore_mem>>, %arg14: memref<!tpu.dma_semaphore, #tpu.memory_space<semaphore_mem>>, %arg15: memref<!tpu.dma_semaphore, #tpu.memory_space<semaphore_mem>>, %arg16: memref<!tpu.dma_semaphore, #tpu.memory_space<semaphore_mem>>, %arg17: memref<!tpu.dma_semaphore, #tpu.memory_space<semaphore_mem>>, %arg18: memref<!tpu.dma_semaphore, #tpu.memory_space<semaphore_mem>>, %arg19: memref<!tpu.dma_semaphore, #tpu.memory_space<semaphore_mem>>, %arg20: memref<!tpu.dma_semaphore, #tpu.memory_space<semaphore_mem>>) attributes {dimension_semantics = [#tpu.dimension_semantics<core_parallel>, #tpu.dimension_semantics<subcore_parallel>], iteration_bounds = array<i64: 2, 16>, scalar_prefetch = 0 : i64, scratch_operands = 16 : i64, tpu.core_type = #tpu.core_type<sc_vector_subcore>, window_params = [{transform_indices = #map}, {transform_indices = #map1}, {transform_indices = #map1}]} {
    %mul3A = arith.constant 2 : i32
    %mul3A_0 = arith.muli %arg1, %mul3A : i32
    %add3A = arith.addi %mul3A_0, %arg0 : i32
    %mul3A_1 = arith.constant 128 : i32
    %mul3A_2 = arith.muli %add3A, %mul3A_1 : i32
    "tpu.region"() ({
      %run_scoped3A = tpu.sem_alloc : memref<!tpu.dma_semaphore, #tpu.memory_space<semaphore_mem>>
      %dma_start3A_46 = arith.constant 0 : i32
      %dma_start3A_47 = arith.constant 0 : i32
      %dma_start3A_48 = tpu.memref_slice %arg2[%add3A, %dma_start3A_46, %dma_start3A_47] : memref<32x50x128xi32, #tpu.memory_space<hbm>> -> memref<1x50x128xi32, #tpu.memory_space<hbm>>
      %dma_start3A_49 = tpu.memref_squeeze %dma_start3A_48 : memref<1x50x128xi32, #tpu.memory_space<hbm>> -> memref<50x128xi32, #tpu.memory_space<hbm>>
      %dma_start3A_50 = arith.constant 0 : i32
      %dma_start3A_51 = arith.constant 0 : i32
      %dma_start3A_52 = tpu.memref_slice %arg2[%add3A, %dma_start3A_50, %dma_start3A_51] : memref<32x50x128xi32, #tpu.memory_space<hbm>> -> memref<1x50x128xi32, #tpu.memory_space<hbm>>
      %dma_start3A_53 = tpu.memref_squeeze %dma_start3A_52 : memref<1x50x128xi32, #tpu.memory_space<hbm>> -> memref<50x128xi32, #tpu.memory_space<hbm>>
      tpu.enqueue_dma source(%dma_start3A_53 : memref<50x128xi32, #tpu.memory_space<hbm>>) target(%arg5 : memref<50x128xi32, #tpu.memory_space<vmem>>) target_semaphore(%run_scoped3A : memref<!tpu.dma_semaphore, #tpu.memory_space<semaphore_mem>>)
      %dma_wait3A_54 = arith.constant 0 : i32
      %dma_wait3A_55 = arith.constant 0 : i32
      %dma_wait3A_56 = tpu.memref_slice %arg2[%add3A, %dma_wait3A_54, %dma_wait3A_55] : memref<32x50x128xi32, #tpu.memory_space<hbm>> -> memref<1x50x128xi32, #tpu.memory_space<hbm>>
      %dma_wait3A_57 = tpu.memref_squeeze %dma_wait3A_56 : memref<1x50x128xi32, #tpu.memory_space<hbm>> -> memref<50x128xi32, #tpu.memory_space<hbm>>
      %dma_wait3A_58 = arith.constant 0 : i32
      %dma_wait3A_59 = arith.constant 0 : i32
      %dma_wait3A_60 = tpu.memref_slice %arg2[%add3A, %dma_wait3A_58, %dma_wait3A_59] : memref<32x50x128xi32, #tpu.memory_space<hbm>> -> memref<1x50x128xi32, #tpu.memory_space<hbm>>
      %dma_wait3A_61 = tpu.memref_squeeze %dma_wait3A_60 : memref<1x50x128xi32, #tpu.memory_space<hbm>> -> memref<50x128xi32, #tpu.memory_space<hbm>>
      tpu.wait_dma2 semaphore(%run_scoped3A : memref<!tpu.dma_semaphore, #tpu.memory_space<semaphore_mem>>) src(%dma_wait3A_61 : memref<50x128xi32, #tpu.memory_space<hbm>>) dst(%arg5 : memref<50x128xi32, #tpu.memory_space<vmem>>)
      tpu.yield
    }) : () -> ()
    %dma_start3A = arith.constant 0 : i32
    %dma_start3A_3 = arith.constant 0 : i32
    %dma_start3A_4 = tpu.memref_slice %arg5[%dma_start3A, %dma_start3A_3] : memref<50x128xi32, #tpu.memory_space<vmem>> -> memref<1x128xi32, #tpu.memory_space<vmem>>
    %dma_start3A_5 = tpu.memref_squeeze %dma_start3A_4 : memref<1x128xi32, #tpu.memory_space<vmem>> -> memref<128xi32, #tpu.memory_space<vmem>>
    %dma_start3A_6 = arith.constant 0 : i32
    %dma_start3A_7 = arith.constant 0 : i32
    %dma_start3A_8 = tpu.memref_slice %arg3[%dma_start3A_6, %dma_start3A_7] : memref<100000x128xf32, #tpu.memory_space<hbm>> -> memref<100000x128xf32, #tpu.memory_space<hbm>>
    tpu.enqueue_indirect_dma source(%dma_start3A_8 : memref<100000x128xf32, #tpu.memory_space<hbm>>) target(%arg6 : memref<128x128xf32, #tpu.memory_space<vmem>>) offsets(%dma_start3A_5 : memref<128xi32, #tpu.memory_space<vmem>>) semaphore(%arg11 : memref<!tpu.dma_semaphore, #tpu.memory_space<semaphore_mem>>)
    %dma_start3A_9 = arith.constant 1 : i32
    %dma_start3A_10 = arith.constant 0 : i32
    %dma_start3A_11 = tpu.memref_slice %arg5[%dma_start3A_9, %dma_start3A_10] : memref<50x128xi32, #tpu.memory_space<vmem>> -> memref<1x128xi32, #tpu.memory_space<vmem>>
    %dma_start3A_12 = tpu.memref_squeeze %dma_start3A_11 : memref<1x128xi32, #tpu.memory_space<vmem>> -> memref<128xi32, #tpu.memory_space<vmem>>
    %dma_start3A_13 = arith.constant 0 : i32
    %dma_start3A_14 = arith.constant 0 : i32
    %dma_start3A_15 = tpu.memref_slice %arg3[%dma_start3A_13, %dma_start3A_14] : memref<100000x128xf32, #tpu.memory_space<hbm>> -> memref<100000x128xf32, #tpu.memory_space<hbm>>
    tpu.enqueue_indirect_dma source(%dma_start3A_15 : memref<100000x128xf32, #tpu.memory_space<hbm>>) target(%arg7 : memref<128x128xf32, #tpu.memory_space<vmem>>) offsets(%dma_start3A_12 : memref<128xi32, #tpu.memory_space<vmem>>) semaphore(%arg12 : memref<!tpu.dma_semaphore, #tpu.memory_space<semaphore_mem>>)
    %dma_start3A_16 = arith.constant 2 : i32
    %dma_start3A_17 = arith.constant 0 : i32
    %dma_start3A_18 = tpu.memref_slice %arg5[%dma_start3A_16, %dma_start3A_17] : memref<50x128xi32, #tpu.memory_space<vmem>> -> memref<1x128xi32, #tpu.memory_space<vmem>>
    %dma_start3A_19 = tpu.memref_squeeze %dma_start3A_18 : memref<1x128xi32, #tpu.memory_space<vmem>> -> memref<128xi32, #tpu.memory_space<vmem>>
    %dma_start3A_20 = arith.constant 0 : i32
    %dma_start3A_21 = arith.constant 0 : i32
    %dma_start3A_22 = tpu.memref_slice %arg3[%dma_start3A_20, %dma_start3A_21] : memref<100000x128xf32, #tpu.memory_space<hbm>> -> memref<100000x128xf32, #tpu.memory_space<hbm>>
    tpu.enqueue_indirect_dma source(%dma_start3A_22 : memref<100000x128xf32, #tpu.memory_space<hbm>>) target(%arg8 : memref<128x128xf32, #tpu.memory_space<vmem>>) offsets(%dma_start3A_19 : memref<128xi32, #tpu.memory_space<vmem>>) semaphore(%arg13 : memref<!tpu.dma_semaphore, #tpu.memory_space<semaphore_mem>>)
    %scan3A = arith.constant 0 : i32
    %scan3A_23 = arith.constant 10 : i32
    %scan3A_24 = arith.addi %scan3A, %scan3A_23 : i32
    %scan3A_25 = arith.constant 1 : i32
    scf.for %scan3A_46 = %scan3A to %scan3A_24 step %scan3A_25  : i32 {
      %mul3A_47 = arith.constant 5 : i32
      %mul3A_48 = arith.muli %scan3A_46, %mul3A_47 : i32
      %add3A_49 = arith.constant 0 : i32
      %add3A_50 = arith.addi %mul3A_48, %add3A_49 : i32
      %dma_wait3A_51 = arith.constant 0 : i32
      %dma_wait3A_52 = tpu.memref_slice %arg5[%add3A_50, %dma_wait3A_51] : memref<50x128xi32, #tpu.memory_space<vmem>> -> memref<1x128xi32, #tpu.memory_space<vmem>>
      %dma_wait3A_53 = tpu.memref_squeeze %dma_wait3A_52 : memref<1x128xi32, #tpu.memory_space<vmem>> -> memref<128xi32, #tpu.memory_space<vmem>>
      %dma_wait3A_54 = arith.constant 0 : i32
      %dma_wait3A_55 = arith.constant 0 : i32
      %dma_wait3A_56 = tpu.memref_slice %arg3[%dma_wait3A_54, %dma_wait3A_55] : memref<100000x128xf32, #tpu.memory_space<hbm>> -> memref<100000x128xf32, #tpu.memory_space<hbm>>
      tpu.wait_indirect_dma semaphore(%arg11 : memref<!tpu.dma_semaphore, #tpu.memory_space<semaphore_mem>>) src(%dma_wait3A_56 : memref<100000x128xf32, #tpu.memory_space<hbm>>) dst(%arg6 : memref<128x128xf32, #tpu.memory_space<vmem>>)
      %mul3A_57 = arith.constant 4096 : i32
      %mul3A_58 = arith.muli %add3A_50, %mul3A_57 : i32
      %add3A_59 = arith.addi %mul3A_58, %mul3A_2 : i32
      %dma_start3A_60 = arith.constant 0 : i32
      %dma_start3A_61 = tpu.memref_slice %arg4[%add3A_59, %dma_start3A_60] : memref<204800x128xf32, #tpu.memory_space<hbm>> -> memref<128x128xf32, #tpu.memory_space<hbm>>
      %dma_start3A_62 = arith.constant 0 : i32
      %dma_start3A_63 = tpu.memref_slice %arg4[%add3A_59, %dma_start3A_62] : memref<204800x128xf32, #tpu.memory_space<hbm>> -> memref<128x128xf32, #tpu.memory_space<hbm>>
      tpu.enqueue_dma source(%arg6 : memref<128x128xf32, #tpu.memory_space<vmem>>) target(%dma_start3A_63 : memref<128x128xf32, #tpu.memory_space<hbm>>) target_semaphore(%arg16 : memref<!tpu.dma_semaphore, #tpu.memory_space<semaphore_mem>>)
      %add3A_64 = arith.constant 3 : i32
      %add3A_65 = arith.addi %add3A_50, %add3A_64 : i32
      %lt3A = arith.constant 50 : i32
      %lt3A_66 = arith.cmpi slt, %add3A_65, %lt3A : i32
      %convert_element_type3A = arith.extui %lt3A_66 : i1 to i32
      %cond3A = arith.constant 0 : i32
      %cond3A_67 = arith.cmpi ne, %convert_element_type3A, %cond3A : i32
      scf.if %cond3A_67 {
        %add3A_164 = arith.constant 3 : i32
        %add3A_165 = arith.addi %add3A_50, %add3A_164 : i32
        %ge3A = arith.constant 5 : i32
        %ge3A_166 = arith.cmpi sge, %add3A_165, %ge3A : i32
        %convert_element_type3A_167 = arith.extui %ge3A_166 : i1 to i32
        %cond3A_168 = arith.constant 0 : i32
        %cond3A_169 = arith.cmpi ne, %convert_element_type3A_167, %cond3A_168 : i32
        scf.if %cond3A_169 {
          %dma_wait3A_178 = arith.constant 0 : i32
          %dma_wait3A_179 = tpu.memref_slice %arg4[%mul3A_2, %dma_wait3A_178] : memref<204800x128xf32, #tpu.memory_space<hbm>> -> memref<128x128xf32, #tpu.memory_space<hbm>>
          %dma_wait3A_180 = arith.constant 0 : i32
          %dma_wait3A_181 = tpu.memref_slice %arg4[%mul3A_2, %dma_wait3A_180] : memref<204800x128xf32, #tpu.memory_space<hbm>> -> memref<128x128xf32, #tpu.memory_space<hbm>>
          tpu.wait_dma2 semaphore(%arg19 : memref<!tpu.dma_semaphore, #tpu.memory_space<semaphore_mem>>) src(%arg9 : memref<128x128xf32, #tpu.memory_space<vmem>>) dst(%dma_wait3A_181 : memref<128x128xf32, #tpu.memory_space<hbm>>)
        } else {
        }
        %add3A_170 = arith.constant 3 : i32
        %add3A_171 = arith.addi %add3A_50, %add3A_170 : i32
        %dma_start3A_172 = arith.constant 0 : i32
        %dma_start3A_173 = tpu.memref_slice %arg5[%add3A_171, %dma_start3A_172] : memref<50x128xi32, #tpu.memory_space<vmem>> -> memref<1x128xi32, #tpu.memory_space<vmem>>
        %dma_start3A_174 = tpu.memref_squeeze %dma_start3A_173 : memref<1x128xi32, #tpu.memory_space<vmem>> -> memref<128xi32, #tpu.memory_space<vmem>>
        %dma_start3A_175 = arith.constant 0 : i32
        %dma_start3A_176 = arith.constant 0 : i32
        %dma_start3A_177 = tpu.memref_slice %arg3[%dma_start3A_175, %dma_start3A_176] : memref<100000x128xf32, #tpu.memory_space<hbm>> -> memref<100000x128xf32, #tpu.memory_space<hbm>>
        tpu.enqueue_indirect_dma source(%dma_start3A_177 : memref<100000x128xf32, #tpu.memory_space<hbm>>) target(%arg9 : memref<128x128xf32, #tpu.memory_space<vmem>>) offsets(%dma_start3A_174 : memref<128xi32, #tpu.memory_space<vmem>>) semaphore(%arg14 : memref<!tpu.dma_semaphore, #tpu.memory_space<semaphore_mem>>)
      } else {
      }
      %mul3A_68 = arith.constant 5 : i32
      %mul3A_69 = arith.muli %scan3A_46, %mul3A_68 : i32
      %add3A_70 = arith.constant 1 : i32
      %add3A_71 = arith.addi %mul3A_69, %add3A_70 : i32
      %dma_wait3A_72 = arith.constant 0 : i32
      %dma_wait3A_73 = tpu.memref_slice %arg5[%add3A_71, %dma_wait3A_72] : memref<50x128xi32, #tpu.memory_space<vmem>> -> memref<1x128xi32, #tpu.memory_space<vmem>>
      %dma_wait3A_74 = tpu.memref_squeeze %dma_wait3A_73 : memref<1x128xi32, #tpu.memory_space<vmem>> -> memref<128xi32, #tpu.memory_space<vmem>>
      %dma_wait3A_75 = arith.constant 0 : i32
      %dma_wait3A_76 = arith.constant 0 : i32
      %dma_wait3A_77 = tpu.memref_slice %arg3[%dma_wait3A_75, %dma_wait3A_76] : memref<100000x128xf32, #tpu.memory_space<hbm>> -> memref<100000x128xf32, #tpu.memory_space<hbm>>
      tpu.wait_indirect_dma semaphore(%arg12 : memref<!tpu.dma_semaphore, #tpu.memory_space<semaphore_mem>>) src(%dma_wait3A_77 : memref<100000x128xf32, #tpu.memory_space<hbm>>) dst(%arg7 : memref<128x128xf32, #tpu.memory_space<vmem>>)
      %mul3A_78 = arith.constant 4096 : i32
      %mul3A_79 = arith.muli %add3A_71, %mul3A_78 : i32
      %add3A_80 = arith.addi %mul3A_79, %mul3A_2 : i32
      %dma_start3A_81 = arith.constant 0 : i32
      %dma_start3A_82 = tpu.memref_slice %arg4[%add3A_80, %dma_start3A_81] : memref<204800x128xf32, #tpu.memory_space<hbm>> -> memref<128x128xf32, #tpu.memory_space<hbm>>
      %dma_start3A_83 = arith.constant 0 : i32
      %dma_start3A_84 = tpu.memref_slice %arg4[%add3A_80, %dma_start3A_83] : memref<204800x128xf32, #tpu.memory_space<hbm>> -> memref<128x128xf32, #tpu.memory_space<hbm>>
      tpu.enqueue_dma source(%arg7 : memref<128x128xf32, #tpu.memory_space<vmem>>) target(%dma_start3A_84 : memref<128x128xf32, #tpu.memory_space<hbm>>) target_semaphore(%arg17 : memref<!tpu.dma_semaphore, #tpu.memory_space<semaphore_mem>>)
      %add3A_85 = arith.constant 3 : i32
      %add3A_86 = arith.addi %add3A_71, %add3A_85 : i32
      %lt3A_87 = arith.constant 50 : i32
      %lt3A_88 = arith.cmpi slt, %add3A_86, %lt3A_87 : i32
      %convert_element_type3A_89 = arith.extui %lt3A_88 : i1 to i32
      %cond3A_90 = arith.constant 0 : i32
      %cond3A_91 = arith.cmpi ne, %convert_element_type3A_89, %cond3A_90 : i32
      scf.if %cond3A_91 {
        %add3A_164 = arith.constant 3 : i32
        %add3A_165 = arith.addi %add3A_71, %add3A_164 : i32
        %ge3A = arith.constant 5 : i32
        %ge3A_166 = arith.cmpi sge, %add3A_165, %ge3A : i32
        %convert_element_type3A_167 = arith.extui %ge3A_166 : i1 to i32
        %cond3A_168 = arith.constant 0 : i32
        %cond3A_169 = arith.cmpi ne, %convert_element_type3A_167, %cond3A_168 : i32
        scf.if %cond3A_169 {
          %dma_wait3A_178 = arith.constant 0 : i32
          %dma_wait3A_179 = tpu.memref_slice %arg4[%mul3A_2, %dma_wait3A_178] : memref<204800x128xf32, #tpu.memory_space<hbm>> -> memref<128x128xf32, #tpu.memory_space<hbm>>
          %dma_wait3A_180 = arith.constant 0 : i32
          %dma_wait3A_181 = tpu.memref_slice %arg4[%mul3A_2, %dma_wait3A_180] : memref<204800x128xf32, #tpu.memory_space<hbm>> -> memref<128x128xf32, #tpu.memory_space<hbm>>
          tpu.wait_dma2 semaphore(%arg20 : memref<!tpu.dma_semaphore, #tpu.memory_space<semaphore_mem>>) src(%arg10 : memref<128x128xf32, #tpu.memory_space<vmem>>) dst(%dma_wait3A_181 : memref<128x128xf32, #tpu.memory_space<hbm>>)
        } else {
        }
        %add3A_170 = arith.constant 3 : i32
        %add3A_171 = arith.addi %add3A_71, %add3A_170 : i32
        %dma_start3A_172 = arith.constant 0 : i32
        %dma_start3A_173 = tpu.memref_slice %arg5[%add3A_171, %dma_start3A_172] : memref<50x128xi32, #tpu.memory_space<vmem>> -> memref<1x128xi32, #tpu.memory_space<vmem>>
        %dma_start3A_174 = tpu.memref_squeeze %dma_start3A_173 : memref<1x128xi32, #tpu.memory_space<vmem>> -> memref<128xi32, #tpu.memory_space<vmem>>
        %dma_start3A_175 = arith.constant 0 : i32
        %dma_start3A_176 = arith.constant 0 : i32
        %dma_start3A_177 = tpu.memref_slice %arg3[%dma_start3A_175, %dma_start3A_176] : memref<100000x128xf32, #tpu.memory_space<hbm>> -> memref<100000x128xf32, #tpu.memory_space<hbm>>
        tpu.enqueue_indirect_dma source(%dma_start3A_177 : memref<100000x128xf32, #tpu.memory_space<hbm>>) target(%arg10 : memref<128x128xf32, #tpu.memory_space<vmem>>) offsets(%dma_start3A_174 : memref<128xi32, #tpu.memory_space<vmem>>) semaphore(%arg15 : memref<!tpu.dma_semaphore, #tpu.memory_space<semaphore_mem>>)
      } else {
      }
      %mul3A_92 = arith.constant 5 : i32
      %mul3A_93 = arith.muli %scan3A_46, %mul3A_92 : i32
      %add3A_94 = arith.constant 2 : i32
      %add3A_95 = arith.addi %mul3A_93, %add3A_94 : i32
      %dma_wait3A_96 = arith.constant 0 : i32
      %dma_wait3A_97 = tpu.memref_slice %arg5[%add3A_95, %dma_wait3A_96] : memref<50x128xi32, #tpu.memory_space<vmem>> -> memref<1x128xi32, #tpu.memory_space<vmem>>
      %dma_wait3A_98 = tpu.memref_squeeze %dma_wait3A_97 : memref<1x128xi32, #tpu.memory_space<vmem>> -> memref<128xi32, #tpu.memory_space<vmem>>
      %dma_wait3A_99 = arith.constant 0 : i32
      %dma_wait3A_100 = arith.constant 0 : i32
      %dma_wait3A_101 = tpu.memref_slice %arg3[%dma_wait3A_99, %dma_wait3A_100] : memref<100000x128xf32, #tpu.memory_space<hbm>> -> memref<100000x128xf32, #tpu.memory_space<hbm>>
      tpu.wait_indirect_dma semaphore(%arg13 : memref<!tpu.dma_semaphore, #tpu.memory_space<semaphore_mem>>) src(%dma_wait3A_101 : memref<100000x128xf32, #tpu.memory_space<hbm>>) dst(%arg8 : memref<128x128xf32, #tpu.memory_space<vmem>>)
      %mul3A_102 = arith.constant 4096 : i32
      %mul3A_103 = arith.muli %add3A_95, %mul3A_102 : i32
      %add3A_104 = arith.addi %mul3A_103, %mul3A_2 : i32
      %dma_start3A_105 = arith.constant 0 : i32
      %dma_start3A_106 = tpu.memref_slice %arg4[%add3A_104, %dma_start3A_105] : memref<204800x128xf32, #tpu.memory_space<hbm>> -> memref<128x128xf32, #tpu.memory_space<hbm>>
      %dma_start3A_107 = arith.constant 0 : i32
      %dma_start3A_108 = tpu.memref_slice %arg4[%add3A_104, %dma_start3A_107] : memref<204800x128xf32, #tpu.memory_space<hbm>> -> memref<128x128xf32, #tpu.memory_space<hbm>>
      tpu.enqueue_dma source(%arg8 : memref<128x128xf32, #tpu.memory_space<vmem>>) target(%dma_start3A_108 : memref<128x128xf32, #tpu.memory_space<hbm>>) target_semaphore(%arg18 : memref<!tpu.dma_semaphore, #tpu.memory_space<semaphore_mem>>)
      %add3A_109 = arith.constant 3 : i32
      %add3A_110 = arith.addi %add3A_95, %add3A_109 : i32
      %lt3A_111 = arith.constant 50 : i32
      %lt3A_112 = arith.cmpi slt, %add3A_110, %lt3A_111 : i32
      %convert_element_type3A_113 = arith.extui %lt3A_112 : i1 to i32
      %cond3A_114 = arith.constant 0 : i32
      %cond3A_115 = arith.cmpi ne, %convert_element_type3A_113, %cond3A_114 : i32
      scf.if %cond3A_115 {
        %add3A_164 = arith.constant 3 : i32
        %add3A_165 = arith.addi %add3A_95, %add3A_164 : i32
        %ge3A = arith.constant 5 : i32
        %ge3A_166 = arith.cmpi sge, %add3A_165, %ge3A : i32
        %convert_element_type3A_167 = arith.extui %ge3A_166 : i1 to i32
        %cond3A_168 = arith.constant 0 : i32
        %cond3A_169 = arith.cmpi ne, %convert_element_type3A_167, %cond3A_168 : i32
        scf.if %cond3A_169 {
          %dma_wait3A_178 = arith.constant 0 : i32
          %dma_wait3A_179 = tpu.memref_slice %arg4[%mul3A_2, %dma_wait3A_178] : memref<204800x128xf32, #tpu.memory_space<hbm>> -> memref<128x128xf32, #tpu.memory_space<hbm>>
          %dma_wait3A_180 = arith.constant 0 : i32
          %dma_wait3A_181 = tpu.memref_slice %arg4[%mul3A_2, %dma_wait3A_180] : memref<204800x128xf32, #tpu.memory_space<hbm>> -> memref<128x128xf32, #tpu.memory_space<hbm>>
          tpu.wait_dma2 semaphore(%arg16 : memref<!tpu.dma_semaphore, #tpu.memory_space<semaphore_mem>>) src(%arg6 : memref<128x128xf32, #tpu.memory_space<vmem>>) dst(%dma_wait3A_181 : memref<128x128xf32, #tpu.memory_space<hbm>>)
        } else {
        }
        %add3A_170 = arith.constant 3 : i32
        %add3A_171 = arith.addi %add3A_95, %add3A_170 : i32
        %dma_start3A_172 = arith.constant 0 : i32
        %dma_start3A_173 = tpu.memref_slice %arg5[%add3A_171, %dma_start3A_172] : memref<50x128xi32, #tpu.memory_space<vmem>> -> memref<1x128xi32, #tpu.memory_space<vmem>>
        %dma_start3A_174 = tpu.memref_squeeze %dma_start3A_173 : memref<1x128xi32, #tpu.memory_space<vmem>> -> memref<128xi32, #tpu.memory_space<vmem>>
        %dma_start3A_175 = arith.constant 0 : i32
        %dma_start3A_176 = arith.constant 0 : i32
        %dma_start3A_177 = tpu.memref_slice %arg3[%dma_start3A_175, %dma_start3A_176] : memref<100000x128xf32, #tpu.memory_space<hbm>> -> memref<100000x128xf32, #tpu.memory_space<hbm>>
        tpu.enqueue_indirect_dma source(%dma_start3A_177 : memref<100000x128xf32, #tpu.memory_space<hbm>>) target(%arg6 : memref<128x128xf32, #tpu.memory_space<vmem>>) offsets(%dma_start3A_174 : memref<128xi32, #tpu.memory_space<vmem>>) semaphore(%arg11 : memref<!tpu.dma_semaphore, #tpu.memory_space<semaphore_mem>>)
      } else {
      }
      %mul3A_116 = arith.constant 5 : i32
      %mul3A_117 = arith.muli %scan3A_46, %mul3A_116 : i32
      %add3A_118 = arith.constant 3 : i32
      %add3A_119 = arith.addi %mul3A_117, %add3A_118 : i32
      %dma_wait3A_120 = arith.constant 0 : i32
      %dma_wait3A_121 = tpu.memref_slice %arg5[%add3A_119, %dma_wait3A_120] : memref<50x128xi32, #tpu.memory_space<vmem>> -> memref<1x128xi32, #tpu.memory_space<vmem>>
      %dma_wait3A_122 = tpu.memref_squeeze %dma_wait3A_121 : memref<1x128xi32, #tpu.memory_space<vmem>> -> memref<128xi32, #tpu.memory_space<vmem>>
      %dma_wait3A_123 = arith.constant 0 : i32
      %dma_wait3A_124 = arith.constant 0 : i32
      %dma_wait3A_125 = tpu.memref_slice %arg3[%dma_wait3A_123, %dma_wait3A_124] : memref<100000x128xf32, #tpu.memory_space<hbm>> -> memref<100000x128xf32, #tpu.memory_space<hbm>>
      tpu.wait_indirect_dma semaphore(%arg14 : memref<!tpu.dma_semaphore, #tpu.memory_space<semaphore_mem>>) src(%dma_wait3A_125 : memref<100000x128xf32, #tpu.memory_space<hbm>>) dst(%arg9 : memref<128x128xf32, #tpu.memory_space<vmem>>)
      %mul3A_126 = arith.constant 4096 : i32
      %mul3A_127 = arith.muli %add3A_119, %mul3A_126 : i32
      %add3A_128 = arith.addi %mul3A_127, %mul3A_2 : i32
      %dma_start3A_129 = arith.constant 0 : i32
      %dma_start3A_130 = tpu.memref_slice %arg4[%add3A_128, %dma_start3A_129] : memref<204800x128xf32, #tpu.memory_space<hbm>> -> memref<128x128xf32, #tpu.memory_space<hbm>>
      %dma_start3A_131 = arith.constant 0 : i32
      %dma_start3A_132 = tpu.memref_slice %arg4[%add3A_128, %dma_start3A_131] : memref<204800x128xf32, #tpu.memory_space<hbm>> -> memref<128x128xf32, #tpu.memory_space<hbm>>
      tpu.enqueue_dma source(%arg9 : memref<128x128xf32, #tpu.memory_space<vmem>>) target(%dma_start3A_132 : memref<128x128xf32, #tpu.memory_space<hbm>>) target_semaphore(%arg19 : memref<!tpu.dma_semaphore, #tpu.memory_space<semaphore_mem>>)
      %add3A_133 = arith.constant 3 : i32
      %add3A_134 = arith.addi %add3A_119, %add3A_133 : i32
      %lt3A_135 = arith.constant 50 : i32
      %lt3A_136 = arith.cmpi slt, %add3A_134, %lt3A_135 : i32
      %convert_element_type3A_137 = arith.extui %lt3A_136 : i1 to i32
      %cond3A_138 = arith.constant 0 : i32
      %cond3A_139 = arith.cmpi ne, %convert_element_type3A_137, %cond3A_138 : i32
      scf.if %cond3A_139 {
        %add3A_164 = arith.constant 3 : i32
        %add3A_165 = arith.addi %add3A_119, %add3A_164 : i32
        %ge3A = arith.constant 5 : i32
        %ge3A_166 = arith.cmpi sge, %add3A_165, %ge3A : i32
        %convert_element_type3A_167 = arith.extui %ge3A_166 : i1 to i32
        %cond3A_168 = arith.constant 0 : i32
        %cond3A_169 = arith.cmpi ne, %convert_element_type3A_167, %cond3A_168 : i32
        scf.if %cond3A_169 {
          %dma_wait3A_178 = arith.constant 0 : i32
          %dma_wait3A_179 = tpu.memref_slice %arg4[%mul3A_2, %dma_wait3A_178] : memref<204800x128xf32, #tpu.memory_space<hbm>> -> memref<128x128xf32, #tpu.memory_space<hbm>>
          %dma_wait3A_180 = arith.constant 0 : i32
          %dma_wait3A_181 = tpu.memref_slice %arg4[%mul3A_2, %dma_wait3A_180] : memref<204800x128xf32, #tpu.memory_space<hbm>> -> memref<128x128xf32, #tpu.memory_space<hbm>>
          tpu.wait_dma2 semaphore(%arg17 : memref<!tpu.dma_semaphore, #tpu.memory_space<semaphore_mem>>) src(%arg7 : memref<128x128xf32, #tpu.memory_space<vmem>>) dst(%dma_wait3A_181 : memref<128x128xf32, #tpu.memory_space<hbm>>)
        } else {
        }
        %add3A_170 = arith.constant 3 : i32
        %add3A_171 = arith.addi %add3A_119, %add3A_170 : i32
        %dma_start3A_172 = arith.constant 0 : i32
        %dma_start3A_173 = tpu.memref_slice %arg5[%add3A_171, %dma_start3A_172] : memref<50x128xi32, #tpu.memory_space<vmem>> -> memref<1x128xi32, #tpu.memory_space<vmem>>
        %dma_start3A_174 = tpu.memref_squeeze %dma_start3A_173 : memref<1x128xi32, #tpu.memory_space<vmem>> -> memref<128xi32, #tpu.memory_space<vmem>>
        %dma_start3A_175 = arith.constant 0 : i32
        %dma_start3A_176 = arith.constant 0 : i32
        %dma_start3A_177 = tpu.memref_slice %arg3[%dma_start3A_175, %dma_start3A_176] : memref<100000x128xf32, #tpu.memory_space<hbm>> -> memref<100000x128xf32, #tpu.memory_space<hbm>>
        tpu.enqueue_indirect_dma source(%dma_start3A_177 : memref<100000x128xf32, #tpu.memory_space<hbm>>) target(%arg7 : memref<128x128xf32, #tpu.memory_space<vmem>>) offsets(%dma_start3A_174 : memref<128xi32, #tpu.memory_space<vmem>>) semaphore(%arg12 : memref<!tpu.dma_semaphore, #tpu.memory_space<semaphore_mem>>)
      } else {
      }
      %mul3A_140 = arith.constant 5 : i32
      %mul3A_141 = arith.muli %scan3A_46, %mul3A_140 : i32
      %add3A_142 = arith.constant 4 : i32
      %add3A_143 = arith.addi %mul3A_141, %add3A_142 : i32
      %dma_wait3A_144 = arith.constant 0 : i32
      %dma_wait3A_145 = tpu.memref_slice %arg5[%add3A_143, %dma_wait3A_144] : memref<50x128xi32, #tpu.memory_space<vmem>> -> memref<1x128xi32, #tpu.memory_space<vmem>>
      %dma_wait3A_146 = tpu.memref_squeeze %dma_wait3A_145 : memref<1x128xi32, #tpu.memory_space<vmem>> -> memref<128xi32, #tpu.memory_space<vmem>>
      %dma_wait3A_147 = arith.constant 0 : i32
      %dma_wait3A_148 = arith.constant 0 : i32
      %dma_wait3A_149 = tpu.memref_slice %arg3[%dma_wait3A_147, %dma_wait3A_148] : memref<100000x128xf32, #tpu.memory_space<hbm>> -> memref<100000x128xf32, #tpu.memory_space<hbm>>
      tpu.wait_indirect_dma semaphore(%arg15 : memref<!tpu.dma_semaphore, #tpu.memory_space<semaphore_mem>>) src(%dma_wait3A_149 : memref<100000x128xf32, #tpu.memory_space<hbm>>) dst(%arg10 : memref<128x128xf32, #tpu.memory_space<vmem>>)
      %mul3A_150 = arith.constant 4096 : i32
      %mul3A_151 = arith.muli %add3A_143, %mul3A_150 : i32
      %add3A_152 = arith.addi %mul3A_151, %mul3A_2 : i32
      %dma_start3A_153 = arith.constant 0 : i32
      %dma_start3A_154 = tpu.memref_slice %arg4[%add3A_152, %dma_start3A_153] : memref<204800x128xf32, #tpu.memory_space<hbm>> -> memref<128x128xf32, #tpu.memory_space<hbm>>
      %dma_start3A_155 = arith.constant 0 : i32
      %dma_start3A_156 = tpu.memref_slice %arg4[%add3A_152, %dma_start3A_155] : memref<204800x128xf32, #tpu.memory_space<hbm>> -> memref<128x128xf32, #tpu.memory_space<hbm>>
      tpu.enqueue_dma source(%arg10 : memref<128x128xf32, #tpu.memory_space<vmem>>) target(%dma_start3A_156 : memref<128x128xf32, #tpu.memory_space<hbm>>) target_semaphore(%arg20 : memref<!tpu.dma_semaphore, #tpu.memory_space<semaphore_mem>>)
      %add3A_157 = arith.constant 3 : i32
      %add3A_158 = arith.addi %add3A_143, %add3A_157 : i32
      %lt3A_159 = arith.constant 50 : i32
      %lt3A_160 = arith.cmpi slt, %add3A_158, %lt3A_159 : i32
      %convert_element_type3A_161 = arith.extui %lt3A_160 : i1 to i32
      %cond3A_162 = arith.constant 0 : i32
      %cond3A_163 = arith.cmpi ne, %convert_element_type3A_161, %cond3A_162 : i32
      scf.if %cond3A_163 {
        %add3A_164 = arith.constant 3 : i32
        %add3A_165 = arith.addi %add3A_143, %add3A_164 : i32
        %ge3A = arith.constant 5 : i32
        %ge3A_166 = arith.cmpi sge, %add3A_165, %ge3A : i32
        %convert_element_type3A_167 = arith.extui %ge3A_166 : i1 to i32
        %cond3A_168 = arith.constant 0 : i32
        %cond3A_169 = arith.cmpi ne, %convert_element_type3A_167, %cond3A_168 : i32
        scf.if %cond3A_169 {
          %dma_wait3A_178 = arith.constant 0 : i32
          %dma_wait3A_179 = tpu.memref_slice %arg4[%mul3A_2, %dma_wait3A_178] : memref<204800x128xf32, #tpu.memory_space<hbm>> -> memref<128x128xf32, #tpu.memory_space<hbm>>
          %dma_wait3A_180 = arith.constant 0 : i32
          %dma_wait3A_181 = tpu.memref_slice %arg4[%mul3A_2, %dma_wait3A_180] : memref<204800x128xf32, #tpu.memory_space<hbm>> -> memref<128x128xf32, #tpu.memory_space<hbm>>
          tpu.wait_dma2 semaphore(%arg18 : memref<!tpu.dma_semaphore, #tpu.memory_space<semaphore_mem>>) src(%arg8 : memref<128x128xf32, #tpu.memory_space<vmem>>) dst(%dma_wait3A_181 : memref<128x128xf32, #tpu.memory_space<hbm>>)
        } else {
        }
        %add3A_170 = arith.constant 3 : i32
        %add3A_171 = arith.addi %add3A_143, %add3A_170 : i32
        %dma_start3A_172 = arith.constant 0 : i32
        %dma_start3A_173 = tpu.memref_slice %arg5[%add3A_171, %dma_start3A_172] : memref<50x128xi32, #tpu.memory_space<vmem>> -> memref<1x128xi32, #tpu.memory_space<vmem>>
        %dma_start3A_174 = tpu.memref_squeeze %dma_start3A_173 : memref<1x128xi32, #tpu.memory_space<vmem>> -> memref<128xi32, #tpu.memory_space<vmem>>
        %dma_start3A_175 = arith.constant 0 : i32
        %dma_start3A_176 = arith.constant 0 : i32
        %dma_start3A_177 = tpu.memref_slice %arg3[%dma_start3A_175, %dma_start3A_176] : memref<100000x128xf32, #tpu.memory_space<hbm>> -> memref<100000x128xf32, #tpu.memory_space<hbm>>
        tpu.enqueue_indirect_dma source(%dma_start3A_177 : memref<100000x128xf32, #tpu.memory_space<hbm>>) target(%arg8 : memref<128x128xf32, #tpu.memory_space<vmem>>) offsets(%dma_start3A_174 : memref<128xi32, #tpu.memory_space<vmem>>) semaphore(%arg13 : memref<!tpu.dma_semaphore, #tpu.memory_space<semaphore_mem>>)
      } else {
      }
    }
    %scan3A_26 = arith.constant 10 : i32
    %dma_wait3A = arith.constant 0 : i32
    %dma_wait3A_27 = tpu.memref_slice %arg4[%mul3A_2, %dma_wait3A] : memref<204800x128xf32, #tpu.memory_space<hbm>> -> memref<128x128xf32, #tpu.memory_space<hbm>>
    %dma_wait3A_28 = arith.constant 0 : i32
    %dma_wait3A_29 = tpu.memref_slice %arg4[%mul3A_2, %dma_wait3A_28] : memref<204800x128xf32, #tpu.memory_space<hbm>> -> memref<128x128xf32, #tpu.memory_space<hbm>>
    tpu.wait_dma2 semaphore(%arg16 : memref<!tpu.dma_semaphore, #tpu.memory_space<semaphore_mem>>) src(%arg6 : memref<128x128xf32, #tpu.memory_space<vmem>>) dst(%dma_wait3A_29 : memref<128x128xf32, #tpu.memory_space<hbm>>)
    %dma_wait3A_30 = arith.constant 0 : i32
    %dma_wait3A_31 = tpu.memref_slice %arg4[%mul3A_2, %dma_wait3A_30] : memref<204800x128xf32, #tpu.memory_space<hbm>> -> memref<128x128xf32, #tpu.memory_space<hbm>>
    %dma_wait3A_32 = arith.constant 0 : i32
    %dma_wait3A_33 = tpu.memref_slice %arg4[%mul3A_2, %dma_wait3A_32] : memref<204800x128xf32, #tpu.memory_space<hbm>> -> memref<128x128xf32, #tpu.memory_space<hbm>>
    tpu.wait_dma2 semaphore(%arg17 : memref<!tpu.dma_semaphore, #tpu.memory_space<semaphore_mem>>) src(%arg7 : memref<128x128xf32, #tpu.memory_space<vmem>>) dst(%dma_wait3A_33 : memref<128x128xf32, #tpu.memory_space<hbm>>)
    %dma_wait3A_34 = arith.constant 0 : i32
    %dma_wait3A_35 = tpu.memref_slice %arg4[%mul3A_2, %dma_wait3A_34] : memref<204800x128xf32, #tpu.memory_space<hbm>> -> memref<128x128xf32, #tpu.memory_space<hbm>>
    %dma_wait3A_36 = arith.constant 0 : i32
    %dma_wait3A_37 = tpu.memref_slice %arg4[%mul3A_2, %dma_wait3A_36] : memref<204800x128xf32, #tpu.memory_space<hbm>> -> memref<128x128xf32, #tpu.memory_space<hbm>>
    tpu.wait_dma2 semaphore(%arg18 : memref<!tpu.dma_semaphore, #tpu.memory_space<semaphore_mem>>) src(%arg8 : memref<128x128xf32, #tpu.memory_space<vmem>>) dst(%dma_wait3A_37 : memref<128x128xf32, #tpu.memory_space<hbm>>)
    %dma_wait3A_38 = arith.constant 0 : i32
    %dma_wait3A_39 = tpu.memref_slice %arg4[%mul3A_2, %dma_wait3A_38] : memref<204800x128xf32, #tpu.memory_space<hbm>> -> memref<128x128xf32, #tpu.memory_space<hbm>>
    %dma_wait3A_40 = arith.constant 0 : i32
    %dma_wait3A_41 = tpu.memref_slice %arg4[%mul3A_2, %dma_wait3A_40] : memref<204800x128xf32, #tpu.memory_space<hbm>> -> memref<128x128xf32, #tpu.memory_space<hbm>>
    tpu.wait_dma2 semaphore(%arg19 : memref<!tpu.dma_semaphore, #tpu.memory_space<semaphore_mem>>) src(%arg9 : memref<128x128xf32, #tpu.memory_space<vmem>>) dst(%dma_wait3A_41 : memref<128x128xf32, #tpu.memory_space<hbm>>)
    %dma_wait3A_42 = arith.constant 0 : i32
    %dma_wait3A_43 = tpu.memref_slice %arg4[%mul3A_2, %dma_wait3A_42] : memref<204800x128xf32, #tpu.memory_space<hbm>> -> memref<128x128xf32, #tpu.memory_space<hbm>>
    %dma_wait3A_44 = arith.constant 0 : i32
    %dma_wait3A_45 = tpu.memref_slice %arg4[%mul3A_2, %dma_wait3A_44] : memref<204800x128xf32, #tpu.memory_space<hbm>> -> memref<128x128xf32, #tpu.memory_space<hbm>>
    tpu.wait_dma2 semaphore(%arg20 : memref<!tpu.dma_semaphore, #tpu.memory_space<semaphore_mem>>) src(%arg10 : memref<128x128xf32, #tpu.memory_space<vmem>>) dst(%dma_wait3A_45 : memref<128x128xf32, #tpu.memory_space<hbm>>)
    return
  }
}

</mosaic_0001>

<sc_bundles>
// kernel: _embed.3.cloned.1.call-start
scs
__scs_entry_jumppad:
0x0: {  	(pc) =	sbr.rel $0x88, $3  }
0x1: {  	(tag) =	ssettag $0x0;
	lr =	simm.s32 $0x1  }
0x2: {  	[smem:$0x3F9F] =	sst lr;
	_ =	strace $0xD0000000  }
0x3: {  	_ = 	snop  }
0x4: {  	_ = 	snop  }
0x5: {  	_ = 	snop  }
0x6: {  	_ = 	snop  }
0x7: {  	_ = 	snop  }
__scs_overlays_trampoline_lowered:
0x8: {  	[smem:$0x3FAE] =	sst s0  }
0x9: {  	[smem:$0x3FAF] =	sst s1  }
0xa: {  	[smem:$0x3FB0] =	sst s2  }
0xb: {  	[smem:$0x3FB1] =	sst s3  }
0xc: {  	[smem:$0x3FB2] =	sst s4  }
0xd: {  	[smem:$0x3FB3] =	sst s5  }
0xe: {  	[smem:$0x3FB4] =	sst s6  }
0xf: {  	[smem:$0x3FB5] =	sst s7  }
0x10: {  	[smem:$0x3FB6] =	sst s8  }
0x11: {  	[smem:$0x3FB7] =	sst s9;
	s0 =	simm.s32 @!p0 $0x0  }
0x12: {  	s1 =	sld [smem:$0x3F9D];
	s0 =	simm.s32 @p0 $0x1  }
0x13: {  	[smem:$0x3FB8] =	sst s0;
	s0 =	simm.s32 @!p1 $0x0  }
0x14: {  	s2 =	sld [smem:$0x3F9C];
	s0 =	simm.s32 @p1 $0x1  }
0x15: {  	[smem:$0x3FB9] =	sst s0;
	s0 =	simm.s32 @!p2 $0x0  }
0x16: {  	s3 =	sld [smem:$0x3FDB];
	s0 =	simm.s32 @p2 $0x1  }
0x17: {  	s4 =	simm.s32 $0x1BF5;
	[smem:$0x3FBB] =	sst s0  }
0x18: {  	s0 =	sld [smem:$0x3F9E];
	_ =	swait.ge [sflag:s4], $0x0  }
0x19: {  	s7 =	sld [smem:$0x3F9F]  }
0x1a: {  	s8 =	sadd.s32 $0xFFFFE003, lr  }
0x1b: {  	s9 =	sadd.s32 $0xFFFFFEF7, lr;
	s5 =	simm.s32 $0xFFFFFFFF;
	p2 =	slt.u32 s8, $0xFFFFF086  }
0x1c: {  	p1 =	slt.u32 s9, $0xF7A;
	s5 =	simm.s32 @!p2 $0x0  }
0x1d: {  	s5 =	simm.s32 @p1 $0x1;
	p0 =	seq.s32 s7, s2  }
0x1e: {  	s7 =	smul.u32 @!p0 $0xF7A, s2;
	p2 =	seq.s32 @!p0 s5, $0x0  }
0x1f: {  	s9 =	smul.u32 $0xF7A, s1;
	s8 =	simm.s32 @!p0 $0x1BF5;
	p2 =	por !p2, p0  }
0x20: {  	[sflag:s8] =	ssyncset.s32 @!p0 $0xFFFFF086;
	s6 =	sadd.s32 @!p0 s3, s7;
	s7 =	simm.s32 @!p0 $0x108  }
0x21: {  	s3 =	sadd.s32 s3, s9;
	s6 =	sadd.s32 @!p0 $0x88, s6;
	s7 =	simm.s32 @p2 $0x1082  }
0x22: {  	[simem:s7], [sflag:s8] =	dma.local @!p0 [hbm:s6], $0xF7A  }
0x23: {  	s9 =	sor.u32 $0xD0000000, s2;
	s6 =	simm.s32 $0x108;
	_ =	swait.ge @!p0 [sflag:s8], $0x0  }
0x24: {  	s3 =	sadd.s32 $0x88, s3;
	s6 =	simm.s32 @!p1 $0x1082;
	[sflag:s4] =	ssyncset.s32 $0xFFFFF086  }
0x25: {  	[simem:s6], [sflag:s4] =	dma.local [hbm:s3], $0xF7A  }
0x26: {  	[smem:$0x3F9F] =	sst s1;
	(tag) =	ssettag s2;
	_ =	strace s9  }
0x27: {  	s1 =	sld [smem:$0x3FAF]  }
0x28: {  	s2 =	sld [smem:$0x3FB0]  }
0x29: {  	s4 =	sld [smem:$0x3FB2]  }
0x2a: {  	p0 =	seq.s32 s5, $0x0;
	s5 =	sld [smem:$0x3FB3]  }
0x2b: {  	s6 =	sld [smem:$0x3FB4]  }
0x2c: {  	s7 =	sld [smem:$0x3FB5]  }
0x2d: {  	s3 =	simm.s32 $0x108;
	s8 =	sld [smem:$0x3FB6]  }
0x2e: {  	s3 =	simm.s32 @!p0 $0x1082;
	s9 =	sld [smem:$0x3FB7]  }
0x2f: {  	lr =	sadd.s32 s0, s3;
	s0 =	sld [smem:$0x3FAE]  }
0x30: {  	s3 =	sld [smem:$0x3FB1]  }
0x31: {  	[smem:$0x3FBA] =	sst s10  }
0x32: {  	s10 =	sld [smem:$0x3FB8];
	_ =	sdelay $0x3  }
0x33: {  	p0 =	seq.s32 s10, $0x1;
	s10 =	sld [smem:$0x3FBA];
	_ =	sdelay $0x3  }
0x34: {  	[smem:$0x3FBA] =	sst s10  }
0x35: {  	s10 =	sld [smem:$0x3FB9];
	_ =	sdelay $0x3  }
0x36: {  	p1 =	seq.s32 s10, $0x1;
	s10 =	sld [smem:$0x3FBA];
	_ =	sdelay $0x3  }
0x37: {  	[smem:$0x3FBA] =	sst s10  }
0x38: {  	s10 =	sld [smem:$0x3FBB]  }
0x39: {  	_ = 	snop;
	(pc) =	sbr.ind lr, $3  }
0x3a: {  	_ = 	snop  }
0x3b: {  	_ = 	snop  }
0x3c: {  	p2 =	seq.s32 s10, $0x1;
	s10 =	sld [smem:$0x3FBA]  }
0x3d: {  	_ =	shalt  }
0x3e: {  	_ =	shalt  }
0x3f: {  	_ =	shalt  }
0x40: {  	_ =	shalt  }
0x41: {  	_ =	shalt  }
0x42: {  	_ =	shalt  }
0x43: {  	_ =	shalt  }
0x44: {  	_ =	shalt  }
0x45: {  	_ =	shalt  }
0x46: {  	_ =	shalt  }
0x47: {  	_ =	shalt  }
0x48: {  	_ =	shalt  }
0x49: {  	_ =	shalt  }
0x4a: {  	_ =	shalt  }
0x4b: {  	_ =	shalt  }
0x4c: {  	_ =	shalt  }
0x4d: {  	_ =	shalt  }
0x4e: {  	_ =	shalt  }
0x4f: {  	_ =	shalt  }
0x50: {  	_ =	shalt  }
0x51: {  	_ =	shalt  }
0x52: {  	_ =	shalt  }
0x53: {  	_ =	shalt  }
0x54: {  	_ =	shalt  }
0x55: {  	_ =	shalt  }
0x56: {  	_ =	shalt  }
0x57: {  	_ =	shalt  }
0x58: {  	_ =	shalt  }
0x59: {  	_ =	shalt  }
0x5a: {  	_ =	shalt  }
0x5b: {  	_ =	shalt  }
0x5c: {  	_ =	shalt  }
0x5d: {  	_ =	shalt  }
0x5e: {  	_ =	shalt  }
0x5f: {  	_ =	shalt  }
0x60: {  	_ =	shalt  }
0x61: {  	_ =	shalt  }
0x62: {  	_ =	shalt  }
0x63: {  	_ =	shalt  }
0x64: {  	_ =	shalt  }
0x65: {  	_ =	shalt  }
0x66: {  	_ =	shalt  }
0x67: {  	_ =	shalt  }
0x68: {  	_ =	shalt  }
0x69: {  	_ =	shalt  }
0x6a: {  	_ =	shalt  }
0x6b: {  	_ =	shalt  }
0x6c: {  	_ =	shalt  }
0x6d: {  	_ =	shalt  }
0x6e: {  	_ =	shalt  }
0x6f: {  	_ =	shalt  }
0x70: {  	_ =	shalt  }
0x71: {  	_ =	shalt  }
0x72: {  	_ =	shalt  }
0x73: {  	_ =	shalt  }
0x74: {  	_ =	shalt  }
0x75: {  	_ =	shalt  }
0x76: {  	_ =	shalt  }
0x77: {  	_ =	shalt  }
0x78: {  	_ =	shalt  }
0x79: {  	_ =	shalt  }
0x7a: {  	_ =	shalt  }
0x7b: {  	_ =	shalt  }
0x7c: {  	_ =	shalt  }
0x7d: {  	_ =	shalt  }
0x7e: {  	_ =	shalt  }
0x7f: {  	_ =	shalt  }
0x80: {  	_ =	shalt  }
0x81: {  	_ =	shalt  }
0x82: {  	_ =	shalt  }
0x83: {  	_ =	shalt  }
0x84: {  	_ =	shalt  }
0x85: {  	_ =	shalt  }
0x86: {  	_ =	shalt  }
0x87: {  	_ =	shalt  }
.Lfunc_end0:
.L_simem_size_0:
called_computation_lowered:
.L_overlay_start_0:
0x88: {  	s2 =	sld [smem:$0x3FD9]  }
0x89: {  	s3 =	sld [smem:$0x3FFE];
	_ =	sdelay $0x1  }
0x8a: {  	s1 =	srdreg.scid  }
0x8b: {  	s0 =	sand.u32 $0x1, s1  }
0x8c: {  	s17 =	sshll.u32 s0, $0xA;
	s2 =	sadd.s32 s3, s2  }
0x8d: {  	s2 =	sadd.s32 s2, s17  }
0x8e: {  	[smem:$0x3FC6] =	sst s2  }
0x8f: {  	_ = 	snop  }
0x90: {  	s2 =	sld [smem:$0x3FC8]  }
0x91: {  	s18 =	sld [smem:$0x3FD0];
	(tm) =	ssettm $0x1  }
0x92: {  	s4 =	sld [smem:$0x3FFB];
	_ =	sdelay $0x3  }
0x93: {  	_ =	strace s4  }
0x94: {  	s4 =	sld [smem:$0x3FFC];
	_ =	sdelay $0x3  }
0x95: {  	_ =	strace s4  }
0x96: {  	s4 =	sld [smem:$0x3FFD];
	_ =	sdelay $0x3  }
0x97: {  	_ =	strace s4  }
0x98: {  	_ =	strace $0x8FFFFFFF  }
0x99: {  	s19 =	sld [smem:$0x3FDB];
	_ =	sdelay $0x1  }
0x9a: {  	s5 =	simm.s32 $_scs_section_size  }
0x9b: {  	s6 =	simm.s32 $_size__tile_overlayer_lowered;
	s7 =	simm.s32 $_tile_overlayer_lowered  }
0x9c: {  	s22 =	simm.s32 $0x1BFF;
	s21 =	sshll.u32 s7, $0x1;
	s4 =	sadd.s32 s5, s19  }
0x9d: {  	s8 =	simm.s32 $0x0;
	s20 =	sshll.u32 s6, $0x1;
	s6 =	sadd.s32 s21, s4  }
0x9e: {  	[timem:s8], [sflag:s22] =	dma.local [hbm:s6], s20  }
0x9f: {  	_ =	swait.ge [sflag:s22], s20  }
0xa0: {  	s5 =	ssub.s32 $0x0, s20;
	[sflag:s22] =	ssyncset.done $0x0  }
0xa1: {  	[sflag:s22] =	ssyncadd.s32 s5;
	_ =	sdelay $0x1  }
0xa2: {  	s23 =	simm.s32 $0x1B8B  }
0xa3: {  	_ =	swait.ge [sflag:s23], $0x1  }
0xa4: {  	[sflag:s23] =	ssyncset.done $0x0  }
0xa5: {  	s25 =	simm.s32 $0x1B8E;
	s24 =	sld [smem:$0x3FFE];
	[sflag:s23] =	ssyncadd.s32 $0xFFFFFFFF  }
0xa6: {  	s26 =	simm.s32 $execute0_lowered;
	[smem:$0x3FD2] =	sst s25  }
0xa7: {  	s6 =	sshll.u32 s26, $0x1;
	_ =	strace $0x80000046;
	[dreg:$0x1] =	wrdreg $0xFFFFFFFF  }
0xa8: {  	s28 =	simm.s32 $_size_execute0_lowered;
	s4 =	sadd.s32 s4, s6;
	[dreg:$0x0] =	wrdreg $0x0  }
0xa9: {  	s6 =	sshll.u32 s28, $0x1;
	[dreg:$0x2] =	wrdreg s4  }
0xaa: {  	[dreg:$0x3] =	wrdreg s6  }
0xab: {  	[dreg:$0x4] =	wrdreg $0xC0  }
0xac: {  	_ =	task [dreg:s8], $0x5FFFF  }
0xad: {  	[dreg:$0x1] =	wrdreg $0xFFFFFFFF  }
0xae: {  	[dreg:$0x0] =	wrdreg $0x60  }
0xaf: {  	[dreg:$0x2] =	wrdreg s24  }
0xb0: {  	[dreg:$0x3] =	wrdreg s2  }
0xb1: {  	[dreg:$0x4] =	wrdreg s18  }
0xb2: {  	[dreg:$0x5] =	wrdreg $0x9  }
0xb3: {  	_ =	task.clear_ibuf [dreg:s8], $0x6FFFF;
	_ =	strace $0x90000046  }
0xb4: {  	s29 =	simm.s32 $0x9;
	_ =	strace $0x80000048  }
0xb5: {  	_ =	swait.ge [sflag:s29], $0x1  }
0xb6: {  	[sflag:s29] =	ssyncadd.s32 $0xFFFFFFFF  }
0xb7: {  	_ =	strace $0x90000048  }
0xb8: {  	_ =	sfence  }
0xb9: {  	s30 =	sld [smem:$0x0];
	_ =	sdelay $0x2  }
0xba: {  	s31 =	sshll.u32 s1, $0xD;
	s1 =	sshrl.u32 s1, $0x2  }
0xbb: {  	s3 =	sand.u32 $0x4000, s31;
	s1 =	sadd.s32 s1, s30  }
0xbc: {  	s0 =	sor.u32 s3, s0;
	s1 =	sshll.u32 s1, $0x11  }
0xbd: {  	s0 =	sor.u32 s1, s0  }
0xbe: {  	s0 =	sadd.s32 $0x8F2B, s0  }
0xbf: {  	[sflag:s0] =	ssyncadd.remote.s32 $0x1  }
0xc0: {  	_ =	sfence.sel $0xFFFF  }
0xc1: {  	[dreg:$0x0] =	wrdreg $0xFFFFFFFF;
	(pc) =	sbr.abs _section_cstart, $3  }
0xc2: {  	[dreg:$0x1] =	wrdreg $0xFFFFFFFF  }
0xc3: {  	_ =	task.clear_ibuf [dreg:s8], $0x2FFFF;
	_ =	strace $0x9FFFFFFF  }
0xc4: {  	(tm) =	ssettm $0x7FFFFFFF  }
0xc5: {  	_ =	shalt  }
tec
execute0_lowered:
.L_overlay_start_1:
0x0: {  	(tag) =	ssettag $0x1  }
0x1: {  	s4 =	rddreg [dreg:$0x0]  }
0x2: {  	s2 =	rddreg [dreg:$0x1]  }
0x3: {  	s1 =	srdreg.scid;
	s0 =	stileid.u32  }
0x4: {  	s7 =	rddreg [dreg:$0x2];
	s3 =	simm.s32 $0x0;
	s11 =	simm.s32 $0x1C00  }
0x5: {  	s12 =	simm.s32 $0x5C00;
	s13 =	simm.s32 $0x100;
	s14 =	simm.s32 $0x9C00  }
0x6: {  	s15 =	simm.s32 $0x1;
	s16 =	simm.s32 $0xDC00;
	s17 =	simm.s32 $0x2  }
0x7: {  	s18 =	simm.s32 $0x11C00;
	s19 =	simm.s32 $0x3;
	s20 =	simm.s32 $0x4  }
0x8: {  	s21 =	simm.s32 $0x5;
	s22 =	simm.s32 $0x6;
	s23 =	simm.s32 $0x7  }
0x9: {  	s24 =	simm.s32 $0x8;
	s25 =	simm.s32 $0x9;
	s26 =	simm.s32 $0xA  }
0xa: {  	s28 =	simm.s32 $0x0;
	s8 =	sand.u32 $0x1, s1;
	s5 =	sshll.u32 s0, $0x1  }
0xb: {  	[smem:$0x7FF] =	sst s3;
	s31 =	sshll.u32 s0, $0xC;
	s5 =	sor.u32 s8, s5  }
0xc: {  	s9 =	ssub.s32 $0x2, s8;
	_ =	strace $0x80000047;
	s6 =	smul.u32 $0x380, s5  }
.Ltmp0:
0xd: {  	s10 =	sshrl.u32 s9, $0x1;
	s5 =	sshll.u32 s5, $0xB;
	(pc) =	sbr.rel .LBB2_1-.Ltmp0, $4  }
0xe: {  	s8 =	sshll.u32 s8, $0xB;
	s29 =	ssub.s32 s9, s10;
	s30 =	sadd.s32 s7, s5  }
0xf: {  	s10 =	sadd.s32 s31, s7;
	s9 =	simm.s32 $0xB;
	s4 =	sadd.s32 s6, s4  }
0x10: {  	s5 =	sadd.s32 $0x310000, s30;
	s6 =	smax.u32 s29, $0x1;
	s7 =	sadd.s32 $0x300000, s30  }
0x11: {  	s8 =	sadd.s32 s8, s10;
	s10 =	simm.s32 $0x80;
	s4 =	sadd.s32 $0x400, s4  }
.LBB2_4:
0x12: {  	_ =	swait.ge [sflag:s20], $0x4000  }
0x13: {  	[sflag:s20] =	ssyncset.done $0x0  }
0x14: {  	[sflag:s20] =	ssyncadd.s32 $0xFFFFC000  }
0x15: {  	[hbm4b:s7+s3] =	stream.linear.scatter [tilespmem:s16], [sflag:$0x9], $0x4000, $0x38;
	[tilespmem:$0x15C00] =	vst v63  }
0x16: {  	_ =	swait.ge [sflag:s21], $0x4000  }
0x17: {  	[sflag:s21] =	ssyncset.done $0x0  }
0x18: {  	[sflag:s21] =	ssyncadd.s32 $0xFFFFC000  }
0x19: {  	[hbm4b:s5+s3] =	stream.linear.scatter [tilespmem:s18], [sflag:$0xA], $0x4000, $0x38;
	[tilespmem:$0x15C00] =	vst v63  }
0x1a: {  	_ =	swait.ge [sflag:s22], $0x4000  }
0x1b: {  	[sflag:s22] =	ssyncset.done $0x0  }
0x1c: {  	[sflag:s22] =	ssyncadd.s32 $0xFFFFC000  }
0x1d: {  	_ =	swait.ge [sflag:s23], $0x4000  }
0x1e: {  	[sflag:s23] =	ssyncset.done $0x0  }
0x1f: {  	[sflag:s23] =	ssyncadd.s32 $0xFFFFC000  }
0x20: {  	_ =	swait.ge [sflag:s24], $0x4000  }
0x21: {  	[sflag:s24] =	ssyncset.done $0x0  }
0x22: {  	s28 =	sadd.s32 $0x1, s28;
	[sflag:s24] =	ssyncadd.s32 $0xFFFFC000  }
0x23: {  	p0 =	sne.s32 s28, s6;
	_ =	swait.ge [sflag:s25], $0x4000  }
.Ltmp1:
0x24: {  	[sflag:s25] =	ssyncset.done $0x0;
	(pc) =	sbr.rel @!p0 .LBB2_5-.Ltmp1, $4  }
0x25: {  	[sflag:s25] =	ssyncadd.s32 $0xFFFFC000  }
0x26: {  	_ =	swait.ge [sflag:s26], $0x4000  }
0x27: {  	[sflag:s26] =	ssyncset.done $0x0  }
0x28: {  	[sflag:s26] =	ssyncadd.s32 $0xFFFFC000  }
.LBB2_1:
0x29: {  	[tilespmem:s3], [sflag:$0xB] =	stream.linear.gather [hbm4b:s4+s3], $0x1900, $0x38;
	[tilespmem:$0x15C00] =	vst v63  }
0x2a: {  	_ =	swait.ge [sflag:s9], $0x1900  }
0x2b: {  	[sflag:s9] =	ssyncset.done $0x0  }
0x2c: {  	[sflag:s9] =	ssyncadd.s32 $0xFFFFE700  }
0x2d: {  	[tilespmem:s11], [sflag:$0x1] =	stream.indirect.gather [hbm4b:s2+s10], $0x80, s3, s10, $0xb8;
	[tilespmem:$0x15C00] =	vst v63  }
0x2e: {  	_ = 	snop  }
0x2f: {  	[tilespmem:s12], [sflag:$0x2] =	stream.indirect.gather [hbm4b:s2+s10], $0x80, s10, s10, $0xb8;
	[tilespmem:$0x15C00] =	vst v63  }
0x30: {  	s29 =	smov.u32 s8;
	s30 =	simm.s32 $0x0  }
0x31: {  	[tilespmem:s14], [sflag:$0x3] =	stream.indirect.gather [hbm4b:s2+s10], $0x80, s13, s10, $0xb8;
	[tilespmem:$0x15C00] =	vst v63  }
.LBB2_2:
0x32: {  	_ =	swait.ge [sflag:s15], $0x4000  }
0x33: {  	p0 =	seq.s32 s30, $0x0;
	[sflag:s15] =	ssyncset.done $0x0  }
0x34: {  	s1 =	simm.s32 @!p0 $0x9;
	[sflag:s15] =	ssyncadd.s32 $0xFFFFC000  }
0x35: {  	[hbm4b:s29+s3] =	stream.linear.scatter [tilespmem:s11], [sflag:$0x6], $0x4000, $0x38;
	[tilespmem:$0x15C00] =	vst v63  }
0x36: {  	_ =	swait.ge @!p0 [sflag:s1], $0x4000  }
0x37: {  	s31 =	sshra.s32 s30, $0x2;
	[sflag:s1] =	ssyncset.done @!p0 $0x0  }
0x38: {  	[sflag:s1] =	ssyncadd.s32 @!p0 $0xFFFFC000;
	s1 =	sadd.s32 $0x180, s31  }
0x39: {  	[tilespmem:s16], [sflag:$0x4] =	stream.indirect.gather [hbm4b:s2+s10], $0x80, s1, s10, $0xb8;
	[tilespmem:$0x15C00] =	vst v63  }
0x3a: {  	_ =	swait.ge [sflag:s17], $0x4000  }
0x3b: {  	[sflag:s17] =	ssyncset.done $0x0  }
0x3c: {  	s1 =	sadd.s32 $0x10000, s29;
	[sflag:s17] =	ssyncadd.s32 $0xFFFFC000  }
0x3d: {  	[hbm4b:s1+s3] =	stream.linear.scatter [tilespmem:s12], [sflag:$0x7], $0x4000, $0x38;
	[tilespmem:$0x15C00] =	vst v63  }
0x3e: {  	s1 =	simm.s32 @!p0 $0xA  }
0x3f: {  	_ =	swait.ge @!p0 [sflag:s1], $0x4000  }
0x40: {  	[sflag:s1] =	ssyncset.done @!p0 $0x0  }
0x41: {  	[sflag:s1] =	ssyncadd.s32 @!p0 $0xFFFFC000;
	s1 =	sadd.s32 $0x200, s31;
	p0 =	seq.s32 s30, $0x5A00  }
0x42: {  	[tilespmem:s18], [sflag:$0x5] =	stream.indirect.gather [hbm4b:s2+s10], $0x80, s1, s10, $0xb8;
	[tilespmem:$0x15C00] =	vst v63  }
.Ltmp2:
0x43: {  	_ = 	snop;
	(pc) =	sbr.rel @p0 .LBB2_4-.Ltmp2, $4  }
0x44: {  	_ =	swait.ge [sflag:s19], $0x4000  }
0x45: {  	[sflag:s19] =	ssyncset.done $0x0  }
0x46: {  	s1 =	sadd.s32 $0x20000, s29;
	[sflag:s19] =	ssyncadd.s32 $0xFFFFC000  }
0x47: {  	[hbm4b:s1+s3] =	stream.linear.scatter [tilespmem:s14], [sflag:$0x8], $0x4000, $0x38;
	[tilespmem:$0x15C00] =	vst v63  }
0x48: {  	_ =	swait.ge [sflag:s22], $0x4000  }
0x49: {  	[sflag:s22] =	ssyncset.done $0x0  }
0x4a: {  	s1 =	sadd.s32 $0x280, s31;
	[sflag:s22] =	ssyncadd.s32 $0xFFFFC000  }
0x4b: {  	[tilespmem:s11], [sflag:$0x1] =	stream.indirect.gather [hbm4b:s2+s10], $0x80, s1, s10, $0xb8;
	[tilespmem:$0x15C00] =	vst v63  }
0x4c: {  	_ =	swait.ge [sflag:s20], $0x4000  }
0x4d: {  	[sflag:s20] =	ssyncset.done $0x0  }
0x4e: {  	s1 =	sadd.s32 $0x30000, s29;
	[sflag:s20] =	ssyncadd.s32 $0xFFFFC000  }
0x4f: {  	[hbm4b:s1+s3] =	stream.linear.scatter [tilespmem:s16], [sflag:$0x9], $0x4000, $0x38;
	[tilespmem:$0x15C00] =	vst v63  }
0x50: {  	_ =	swait.ge [sflag:s23], $0x4000  }
0x51: {  	[sflag:s23] =	ssyncset.done $0x0  }
0x52: {  	s1 =	sadd.s32 $0x300, s31;
	[sflag:s23] =	ssyncadd.s32 $0xFFFFC000  }
0x53: {  	[tilespmem:s12], [sflag:$0x2] =	stream.indirect.gather [hbm4b:s2+s10], $0x80, s1, s10, $0xb8;
	[tilespmem:$0x15C00] =	vst v63  }
0x54: {  	_ =	swait.ge [sflag:s21], $0x4000  }
0x55: {  	[sflag:s21] =	ssyncset.done $0x0  }
0x56: {  	s1 =	sadd.s32 $0x40000, s29;
	[sflag:s21] =	ssyncadd.s32 $0xFFFFC000  }
0x57: {  	[hbm4b:s1+s3] =	stream.linear.scatter [tilespmem:s18], [sflag:$0xA], $0x4000, $0x38;
	[tilespmem:$0x15C00] =	vst v63  }
.Ltmp3:
0x58: {  	_ = 	snop;
	(pc) =	sbr.rel .LBB2_2-.Ltmp3, $4  }
0x59: {  	_ =	swait.ge [sflag:s24], $0x4000  }
0x5a: {  	s30 =	sadd.s32 $0xA00, s30;
	[sflag:s24] =	ssyncset.done $0x0  }
0x5b: {  	s31 =	sadd.s32 $0x380, s31;
	s29 =	sadd.s32 $0x50000, s29;
	[sflag:s24] =	ssyncadd.s32 $0xFFFFC000  }
0x5c: {  	[tilespmem:s14], [sflag:$0x3] =	stream.indirect.gather [hbm4b:s2+s10], $0x80, s31, s10, $0xb8;
	[tilespmem:$0x15C00] =	vst v63  }
.LBB2_5:
0x5d: {  	_ =	sfence.sel $0x180000  }
0x5e: {  	[bflag:$0x0] =	sbarrier.arrive $0xFFFF  }
0x5f: {  	_ =	strace $0x90000047  }
0x60: {  	[bflag:$0x2] =	sbarrier.arrive $0xFFFF  }
0x61: {  	p0 =	sne.s32 s0, $0x0;
	s0 =	rddreg [dreg:$0x3]  }
0x62: {  	s0 =	sadd.s32 @!p0 $0x100000, s0  }
0x63: {  	[sflag:s0] =	ssyncadd.tile.s32 @!p0 $0x1;
	_ =	shalt  }
.Lfunc_end2:
_tile_overlayer_lowered:
.L_overlay_start_2:
0x64: {  	(tag) =	ssettag $0x2  }
0x65: {  	s0 =	rddreg [dreg:$0x0];
	s2 =	stileid.u32  }
0x66: {  	s1 =	rddreg [dreg:$0x1];
	p0 =	sne.s32 s2, $0x0  }
0x67: {  	s3 =	rddreg [dreg:$0x2];
	[bflag:$0x3] =	sbarrier.arrive $0xFFFF;
	s2 =	simm.s32 @!p0 $0x1C0B  }
0x68: {  	[timem:s3], [sflag:s2] =	dma.local @!p0 [hbm:s0], s1  }
0x69: {  	s0 =	simm.s32 @!p0 $0xB  }
0x6a: {  	_ =	swait.ge @!p0 [sflag:s0], s1  }
0x6b: {  	s1 =	ssub.s32 @!p0 $0x0, s1;
	[sflag:s0] =	ssyncset.done @!p0 $0x0  }
0x6c: {  	[sflag:s0] =	ssyncadd.s32 @!p0 s1  }
0x6d: {  	[bflag:$0x3] =	sbarrier.arrive $0xFFFF  }
0x6e: {  	_ =	shalt  }

</sc_bundles>
